<compile_context>
chip_gen: v7x
topology: tpu7x:2x2x1
jax: 0.10.2.dev20260603
libtpu: 0.0.44.dev20260713+nightly
codegen_flags: <defaults>
</compile_context>

<pallas_src>
import jax
import jax.numpy as jnp
from jax import lax
from jax.experimental import pallas as pl
from jax.experimental.pallas import tpu as pltpu
from jax.experimental.pallas import tpu_sc as plsc

L = 16
TILES = 16


def _partials_body(pt_hbm, consts_hbm, out_hbm,
                   pt_v, c_v, part_v, sem_pt, sem_c):
    B2 = pt_hbm.shape[0]
    chunk2 = B2 // TILES
    chunk = chunk2 // 2
    sid = lax.axis_index("s")
    base = sid * chunk2

    cp_pt = pltpu.make_async_copy(pt_hbm.at[pl.ds(base, chunk2)], pt_v, sem_pt)
    cp_c = pltpu.make_async_copy(consts_hbm, c_v, sem_c)
    cp_pt.start()
    cp_c.start()
    cp_c.wait()
    cp_pt.wait()

    bin0 = c_v[pl.ds(0, L)]
    wlo = c_v[pl.ds(L, L)]
    whi = c_v[pl.ds(2 * L, L)]

    def body(i, acc):
        p = pt_v[pl.ds(i * L, L)]
        t = pt_v[pl.ds(chunk + i * L, L)]
        w = jnp.where(t > bin0, whi, wlo)
        return acc + jnp.abs(p - t) * w

    acc = lax.fori_loop(0, chunk // L, body, jnp.zeros((L,), jnp.float32))
    part_v[...] = acc
    pltpu.sync_copy(part_v, out_hbm.at[sid])


def _make_reduce_body(scale):
    def _reduce_body(x_ref, o_ref):
        o_ref[0, 0] = jnp.sum(x_ref[...]) * scale
    return _reduce_body


def kernel(pred, target, bins, weights):
    B = pred.shape[0]
    p = pred.reshape(B)
    t = target.reshape(B)
    consts = jnp.concatenate([
        jnp.broadcast_to(bins[0], (L,)),
        jnp.broadcast_to(weights[0], (L,)),
        jnp.broadcast_to(weights[1], (L,)),
    ])
    chunk = B // TILES
    pt = jnp.stack([p.reshape(TILES, chunk), t.reshape(TILES, chunk)],
                   axis=1).reshape(2 * B)
    partials = pl.kernel(
        _partials_body,
        mesh=plsc.VectorSubcoreMesh(
            core_axis_name="c", subcore_axis_name="s", num_cores=1),
        out_type=jax.ShapeDtypeStruct((TILES, L), jnp.float32),
        scratch_types=[
            pltpu.VMEM((2 * B // TILES,), jnp.float32),
            pltpu.VMEM((3 * L,), jnp.float32),
            pltpu.VMEM((L,), jnp.float32),
            pltpu.SemaphoreType.DMA,
            pltpu.SemaphoreType.DMA,
        ],
    )(pt, consts)

    total = pl.pallas_call(
        _make_reduce_body(1.0 / B),
        out_shape=jax.ShapeDtypeStruct((1, 1), jnp.float32),
        out_specs=pl.BlockSpec(memory_space=pltpu.SMEM),
    )(partials.reshape(2, 8 * L))
    return total[0, 0]

# --- scband reference (transcript-rebuilt; emitter-appended) ---
"""Pipeline reference for scband-adaptive-age-loss-19774029430797 (READ-ONLY COPY).

The authoritative reference and input builder live on the scoring server;
editing this copy changes nothing except your own understanding.
"""

import jax, jax.numpy as jnp
import numpy as np

B = 16384

def setup_inputs(seed: int = 0) -> dict:
    key = jax.random.key(seed)
    k1, k2 = jax.random.split(key, 2)
    pred = jax.random.normal(k1, (B, 1), dtype=jnp.float32)
    target = jax.random.randint(k2, (B, 1), 0, 100).astype(jnp.float32)
    bins = jnp.array([60.0], dtype=jnp.float32)
    weights = jnp.array([1.0, 3.0], dtype=jnp.float32)
    return {"pred": pred, "target": target, "bins": bins, "weights": weights}

def reference(pred, target, bins, weights):
    # target = target.squeeze()
    t = jnp.squeeze(target)
    p = jnp.squeeze(pred)
    # torch.bucketize(target, bins) with right=False (default) is equivalent to
    # np.searchsorted(bins, target, side='left'):
    # returns i such that bins[i-1] < target <= bins[i]
    bin_indices = jnp.searchsorted(bins, t, side='left')
    loss = jnp.mean(jnp.abs(p - t) * weights[bin_indices])
    return loss

if __name__ == "__main__":
    import jax
    _d = setup_inputs()
    print(jax.jit(kernel)(*tuple(_d.values())))

</pallas_src>

<mosaic_0001>
#map = affine_map<(d0, d1) -> (0)>
#map1 = affine_map<(d0, d1) -> (0, 0)>
module attributes {stable_mosaic.version = 14 : i64} {
  func.func @_partials_body(%arg0: i32, %arg1: i32, %arg2: memref<32768xf32, #tpu.memory_space<hbm>>, %arg3: memref<48xf32, #tpu.memory_space<hbm>>, %arg4: memref<16x16xf32, #tpu.memory_space<hbm>>, %arg5: memref<2048xf32, #tpu.memory_space<vmem>>, %arg6: memref<48xf32, #tpu.memory_space<vmem>>, %arg7: memref<16xf32, #tpu.memory_space<vmem>>, %arg8: memref<!tpu.dma_semaphore, #tpu.memory_space<semaphore_mem>>, %arg9: memref<!tpu.dma_semaphore, #tpu.memory_space<semaphore_mem>>) attributes {dimension_semantics = [#tpu.dimension_semantics<core_parallel>, #tpu.dimension_semantics<subcore_parallel>], iteration_bounds = array<i64: 1, 16>, scalar_prefetch = 0 : i64, scratch_operands = 5 : i64, tpu.core_type = #tpu.core_type<sc_vector_subcore>, window_params = [{transform_indices = #map}, {transform_indices = #map}, {transform_indices = #map1}]} {
    %mul3A = arith.constant 2048 : i32
    %mul3A_0 = arith.muli %arg1, %mul3A : i32
    %dma_start3A = tpu.memref_slice %arg2[%mul3A_0] : memref<32768xf32, #tpu.memory_space<hbm>> -> memref<2048xf32, #tpu.memory_space<hbm>>
    %dma_start3A_1 = tpu.memref_slice %arg2[%mul3A_0] : memref<32768xf32, #tpu.memory_space<hbm>> -> memref<2048xf32, #tpu.memory_space<hbm>>
    tpu.enqueue_dma source(%dma_start3A_1 : memref<2048xf32, #tpu.memory_space<hbm>>) target(%arg5 : memref<2048xf32, #tpu.memory_space<vmem>>) target_semaphore(%arg8 : memref<!tpu.dma_semaphore, #tpu.memory_space<semaphore_mem>>)
    tpu.enqueue_dma source(%arg3 : memref<48xf32, #tpu.memory_space<hbm>>) target(%arg6 : memref<48xf32, #tpu.memory_space<vmem>>) target_semaphore(%arg9 : memref<!tpu.dma_semaphore, #tpu.memory_space<semaphore_mem>>)
    tpu.wait_dma2 semaphore(%arg9 : memref<!tpu.dma_semaphore, #tpu.memory_space<semaphore_mem>>) src(%arg3 : memref<48xf32, #tpu.memory_space<hbm>>) dst(%arg6 : memref<48xf32, #tpu.memory_space<vmem>>)
    %dma_wait3A = tpu.memref_slice %arg2[%mul3A_0] : memref<32768xf32, #tpu.memory_space<hbm>> -> memref<2048xf32, #tpu.memory_space<hbm>>
    %dma_wait3A_2 = tpu.memref_slice %arg2[%mul3A_0] : memref<32768xf32, #tpu.memory_space<hbm>> -> memref<2048xf32, #tpu.memory_space<hbm>>
    tpu.wait_dma2 semaphore(%arg8 : memref<!tpu.dma_semaphore, #tpu.memory_space<semaphore_mem>>) src(%dma_wait3A_2 : memref<2048xf32, #tpu.memory_space<hbm>>) dst(%arg5 : memref<2048xf32, #tpu.memory_space<vmem>>)
    %get3A = arith.constant 0 : index
    %get3A_3 = tpu.vector_load %arg6[%get3A] {strides = array<i32>} : memref<48xf32, #tpu.memory_space<vmem>>, vector<16xf32>,
    %get3A_4 = vector.shape_cast %get3A_3 : vector<16xf32> to vector<16xf32>
    %get3A_5 = arith.constant 16 : index
    %get3A_6 = tpu.vector_load %arg6[%get3A_5] {strides = array<i32>} : memref<48xf32, #tpu.memory_space<vmem>>, vector<16xf32>,
    %get3A_7 = vector.shape_cast %get3A_6 : vector<16xf32> to vector<16xf32>
    %get3A_8 = arith.constant 32 : index
    %get3A_9 = tpu.vector_load %arg6[%get3A_8] {strides = array<i32>} : memref<48xf32, #tpu.memory_space<vmem>>, vector<16xf32>,
    %get3A_10 = vector.shape_cast %get3A_9 : vector<16xf32> to vector<16xf32>
    %broadcast_in_dim3A = arith.constant 0.000000e+00 : f32
    %broadcast_in_dim3A_11 = vector.broadcast %broadcast_in_dim3A : f32 to vector<16xf32>
    %scan3A = arith.constant 0 : i32
    %scan3A_12 = arith.constant 64 : i32
    %scan3A_13 = arith.addi %scan3A, %scan3A_12 : i32
    %scan3A_14 = arith.constant 1 : i32
    %scan3A_15 = scf.for %scan3A_20 = %scan3A to %scan3A_13 step %scan3A_14 iter_args(%scan3A_21 = %broadcast_in_dim3A_11) -> (vector<16xf32>)  : i32 {
      %mul3A_22 = arith.constant 16 : i32
      %mul3A_23 = arith.muli %scan3A_20, %mul3A_22 : i32
      %get3A_24 = arith.index_cast %mul3A_23 : i32 to index
      %get3A_25 = tpu.vector_load %arg5[%get3A_24] {strides = array<i32>} : memref<2048xf32, #tpu.memory_space<vmem>>, vector<16xf32>,
      %get3A_26 = vector.shape_cast %get3A_25 : vector<16xf32> to vector<16xf32>
      %mul3A_27 = arith.constant 16 : i32
      %mul3A_28 = arith.muli %scan3A_20, %mul3A_27 : i32
      %add3A = arith.constant 1024 : i32
      %add3A_29 = arith.addi %add3A, %mul3A_28 : i32
      %get3A_30 = arith.index_cast %add3A_29 : i32 to index
      %get3A_31 = tpu.vector_load %arg5[%get3A_30] {strides = array<i32>} : memref<2048xf32, #tpu.memory_space<vmem>>, vector<16xf32>,
      %get3A_32 = vector.shape_cast %get3A_31 : vector<16xf32> to vector<16xf32>
      %gt3A = arith.cmpf ogt, %get3A_32, %get3A_4 : vector<16xf32>
      %select_n3A = arith.select %gt3A, %get3A_10, %get3A_7 : vector<16xi1>, vector<16xf32>
      %sub3A = arith.subf %get3A_26, %get3A_32 : vector<16xf32>
      %abs3A = math.absf %sub3A : vector<16xf32>
      %mul3A_33 = arith.mulf %abs3A, %select_n3A : vector<16xf32>
      %add3A_34 = arith.addf %scan3A_21, %mul3A_33 : vector<16xf32>
      scf.yield %add3A_34 : vector<16xf32>
    }
    %scan3A_16 = arith.constant 64 : i32
    %swap3A = arith.constant 0 : index
    %swap3A_17 = tpu.vector_load %arg7[%swap3A] {strides = array<i32>} : memref<16xf32, #tpu.memory_space<vmem>>, vector<16xf32>,
    %swap3A_18 = vector.shape_cast %swap3A_17 : vector<16xf32> to vector<16xf32>
    %swap3A_19 = vector.shape_cast %scan3A_15 : vector<16xf32> to vector<16xf32>
    tpu.vector_store %arg7[%swap3A], %swap3A_19 {strides = array<i32>} : memref<16xf32, #tpu.memory_space<vmem>>, vector<16xf32>,
    "tpu.region"() ({
      %run_scoped3A = tpu.sem_alloc : memref<!tpu.dma_semaphore, #tpu.memory_space<semaphore_mem>>
      %dma_start3A_20 = arith.constant 0 : i32
      %dma_start3A_21 = tpu.memref_slice %arg4[%arg1, %dma_start3A_20] : memref<16x16xf32, #tpu.memory_space<hbm>> -> memref<1x16xf32, #tpu.memory_space<hbm>>
      %dma_start3A_22 = tpu.memref_squeeze %dma_start3A_21 : memref<1x16xf32, #tpu.memory_space<hbm>> -> memref<16xf32, #tpu.memory_space<hbm>>
      %dma_start3A_23 = arith.constant 0 : i32
      %dma_start3A_24 = tpu.memref_slice %arg4[%arg1, %dma_start3A_23] : memref<16x16xf32, #tpu.memory_space<hbm>> -> memref<1x16xf32, #tpu.memory_space<hbm>>
      %dma_start3A_25 = tpu.memref_squeeze %dma_start3A_24 : memref<1x16xf32, #tpu.memory_space<hbm>> -> memref<16xf32, #tpu.memory_space<hbm>>
      tpu.enqueue_dma source(%arg7 : memref<16xf32, #tpu.memory_space<vmem>>) target(%dma_start3A_25 : memref<16xf32, #tpu.memory_space<hbm>>) target_semaphore(%run_scoped3A : memref<!tpu.dma_semaphore, #tpu.memory_space<semaphore_mem>>)
      %dma_wait3A_26 = arith.constant 0 : i32
      %dma_wait3A_27 = tpu.memref_slice %arg4[%arg1, %dma_wait3A_26] : memref<16x16xf32, #tpu.memory_space<hbm>> -> memref<1x16xf32, #tpu.memory_space<hbm>>
      %dma_wait3A_28 = tpu.memref_squeeze %dma_wait3A_27 : memref<1x16xf32, #tpu.memory_space<hbm>> -> memref<16xf32, #tpu.memory_space<hbm>>
      %dma_wait3A_29 = arith.constant 0 : i32
      %dma_wait3A_30 = tpu.memref_slice %arg4[%arg1, %dma_wait3A_29] : memref<16x16xf32, #tpu.memory_space<hbm>> -> memref<1x16xf32, #tpu.memory_space<hbm>>
      %dma_wait3A_31 = tpu.memref_squeeze %dma_wait3A_30 : memref<1x16xf32, #tpu.memory_space<hbm>> -> memref<16xf32, #tpu.memory_space<hbm>>
      tpu.wait_dma2 semaphore(%run_scoped3A : memref<!tpu.dma_semaphore, #tpu.memory_space<semaphore_mem>>) src(%arg7 : memref<16xf32, #tpu.memory_space<vmem>>) dst(%dma_wait3A_31 : memref<16xf32, #tpu.memory_space<hbm>>)
      tpu.yield
    }) : () -> ()
    return
  }
}

module attributes {stable_mosaic.version = 14 : i64} {
  func.func @_reduce_body(%arg0: memref<2x128xf32, #tpu.memory_space<vmem>>, %arg1: memref<1x1xf32, #tpu.memory_space<smem>>) attributes {dimension_semantics = [], scalar_prefetch = 0 : i64, scratch_operands = 0 : i64, tpu.core_type = #tpu.core_type<tc>} {
    %get3A = arith.constant 0 : index
    %get3A_0 = arith.constant 0 : index
    %get3A_1 = vector.load %arg0[%get3A, %get3A_0] : memref<2x128xf32, #tpu.memory_space<vmem>>, vector<2x128xf32>
    %reduce_sum3A = vector.shape_cast %get3A_1 : vector<2x128xf32> to vector<1x2x128xf32>
    %reduce_sum3A_2 = arith.constant dense<0.000000e+00> : vector<1xf32>
    %reduce_sum3A_3 = vector.multi_reduction <add>, %reduce_sum3A, %reduce_sum3A_2 [1, 2] : vector<1x2x128xf32> to vector<1xf32>
    %reduce_sum3A_4 = vector.shape_cast %reduce_sum3A_3 : vector<1xf32> to vector<1x1x1xf32>
    %reduce_sum3A_5 = vector.extract %reduce_sum3A_4[0, 0, 0] : f32 from vector<1x1x1xf32>
    %mul3A = arith.constant 6.10351563E-5 : f32
    %mul3A_6 = arith.mulf %reduce_sum3A_5, %mul3A : f32
    %swap3A = arith.constant 0 : index
    %swap3A_7 = arith.constant 0 : index
    %swap3A_8 = memref.load %arg1[%swap3A, %swap3A_7] : memref<1x1xf32, #tpu.memory_space<smem>>
    memref.store %mul3A_6, %arg1[%swap3A, %swap3A_7] : memref<1x1xf32, #tpu.memory_space<smem>>
    return
  }
}

</mosaic_0001>

<sc_bundles>
// kernel: kernel.4.cloned.1.call-start
scs
__scs_entry_jumppad:
0x0: {  	(pc) =	sbr.rel $0x88, $3  }
0x1: {  	(tag) =	ssettag $0x0;
	lr =	simm.s32 $0x1  }
0x2: {  	[smem:$0x3F9D] =	sst lr;
	_ =	strace $0xD0000000  }
0x3: {  	_ = 	snop  }
0x4: {  	_ = 	snop  }
0x5: {  	_ = 	snop  }
0x6: {  	_ = 	snop  }
0x7: {  	_ = 	snop  }
__scs_overlays_trampoline_lowered:
0x8: {  	[smem:$0x3FAC] =	sst s0  }
0x9: {  	[smem:$0x3FAD] =	sst s1  }
0xa: {  	[smem:$0x3FAE] =	sst s2  }
0xb: {  	[smem:$0x3FAF] =	sst s3  }
0xc: {  	[smem:$0x3FB0] =	sst s4  }
0xd: {  	[smem:$0x3FB1] =	sst s5  }
0xe: {  	[smem:$0x3FB2] =	sst s6  }
0xf: {  	[smem:$0x3FB3] =	sst s7  }
0x10: {  	[smem:$0x3FB4] =	sst s8  }
0x11: {  	[smem:$0x3FB5] =	sst s9;
	s0 =	simm.s32 @!p0 $0x0  }
0x12: {  	s1 =	sld [smem:$0x3F9B];
	s0 =	simm.s32 @p0 $0x1  }
0x13: {  	[smem:$0x3FB6] =	sst s0;
	s0 =	simm.s32 @!p1 $0x0  }
0x14: {  	s2 =	sld [smem:$0x3F9A];
	s0 =	simm.s32 @p1 $0x1  }
0x15: {  	[smem:$0x3FB7] =	sst s0;
	s0 =	simm.s32 @!p2 $0x0  }
0x16: {  	s3 =	sld [smem:$0x3FDB];
	s0 =	simm.s32 @p2 $0x1  }
0x17: {  	s4 =	simm.s32 $0x1BF5;
	[smem:$0x3FB9] =	sst s0  }
0x18: {  	s0 =	sld [smem:$0x3F9C];
	_ =	swait.ge [sflag:s4], $0x0  }
0x19: {  	s7 =	sld [smem:$0x3F9D]  }
0x1a: {  	s8 =	sadd.s32 $0xFFFFE003, lr  }
0x1b: {  	s9 =	sadd.s32 $0xFFFFFEF7, lr;
	s5 =	simm.s32 $0xFFFFFFFF;
	p2 =	slt.u32 s8, $0xFFFFF086  }
0x1c: {  	p1 =	slt.u32 s9, $0xF7A;
	s5 =	simm.s32 @!p2 $0x0  }
0x1d: {  	s5 =	simm.s32 @p1 $0x1;
	p0 =	seq.s32 s7, s2  }
0x1e: {  	s7 =	smul.u32 @!p0 $0xF7A, s2;
	p2 =	seq.s32 @!p0 s5, $0x0  }
0x1f: {  	s9 =	smul.u32 $0xF7A, s1;
	s8 =	simm.s32 @!p0 $0x1BF5;
	p2 =	por !p2, p0  }
0x20: {  	[sflag:s8] =	ssyncset.s32 @!p0 $0xFFFFF086;
	s6 =	sadd.s32 @!p0 s3, s7;
	s7 =	simm.s32 @!p0 $0x108  }
0x21: {  	s3 =	sadd.s32 s3, s9;
	s6 =	sadd.s32 @!p0 $0x88, s6;
	s7 =	simm.s32 @p2 $0x1082  }
0x22: {  	[simem:s7], [sflag:s8] =	dma.local @!p0 [hbm:s6], $0xF7A  }
0x23: {  	s9 =	sor.u32 $0xD0000000, s2;
	s6 =	simm.s32 $0x108;
	_ =	swait.ge @!p0 [sflag:s8], $0x0  }
0x24: {  	s3 =	sadd.s32 $0x88, s3;
	s6 =	simm.s32 @!p1 $0x1082;
	[sflag:s4] =	ssyncset.s32 $0xFFFFF086  }
0x25: {  	[simem:s6], [sflag:s4] =	dma.local [hbm:s3], $0xF7A  }
0x26: {  	[smem:$0x3F9D] =	sst s1;
	(tag) =	ssettag s2;
	_ =	strace s9  }
0x27: {  	s1 =	sld [smem:$0x3FAD]  }
0x28: {  	s2 =	sld [smem:$0x3FAE]  }
0x29: {  	s4 =	sld [smem:$0x3FB0]  }
0x2a: {  	p0 =	seq.s32 s5, $0x0;
	s5 =	sld [smem:$0x3FB1]  }
0x2b: {  	s6 =	sld [smem:$0x3FB2]  }
0x2c: {  	s7 =	sld [smem:$0x3FB3]  }
0x2d: {  	s3 =	simm.s32 $0x108;
	s8 =	sld [smem:$0x3FB4]  }
0x2e: {  	s3 =	simm.s32 @!p0 $0x1082;
	s9 =	sld [smem:$0x3FB5]  }
0x2f: {  	lr =	sadd.s32 s0, s3;
	s0 =	sld [smem:$0x3FAC]  }
0x30: {  	s3 =	sld [smem:$0x3FAF]  }
0x31: {  	[smem:$0x3FB8] =	sst s10  }
0x32: {  	s10 =	sld [smem:$0x3FB6];
	_ =	sdelay $0x3  }
0x33: {  	p0 =	seq.s32 s10, $0x1;
	s10 =	sld [smem:$0x3FB8];
	_ =	sdelay $0x3  }
0x34: {  	[smem:$0x3FB8] =	sst s10  }
0x35: {  	s10 =	sld [smem:$0x3FB7];
	_ =	sdelay $0x3  }
0x36: {  	p1 =	seq.s32 s10, $0x1;
	s10 =	sld [smem:$0x3FB8];
	_ =	sdelay $0x3  }
0x37: {  	[smem:$0x3FB8] =	sst s10  }
0x38: {  	s10 =	sld [smem:$0x3FB9]  }
0x39: {  	_ = 	snop;
	(pc) =	sbr.ind lr, $3  }
0x3a: {  	_ = 	snop  }
0x3b: {  	_ = 	snop  }
0x3c: {  	p2 =	seq.s32 s10, $0x1;
	s10 =	sld [smem:$0x3FB8]  }
0x3d: {  	_ =	shalt  }
0x3e: {  	_ =	shalt  }
0x3f: {  	_ =	shalt  }
0x40: {  	_ =	shalt  }
0x41: {  	_ =	shalt  }
0x42: {  	_ =	shalt  }
0x43: {  	_ =	shalt  }
0x44: {  	_ =	shalt  }
0x45: {  	_ =	shalt  }
0x46: {  	_ =	shalt  }
0x47: {  	_ =	shalt  }
0x48: {  	_ =	shalt  }
0x49: {  	_ =	shalt  }
0x4a: {  	_ =	shalt  }
0x4b: {  	_ =	shalt  }
0x4c: {  	_ =	shalt  }
0x4d: {  	_ =	shalt  }
0x4e: {  	_ =	shalt  }
0x4f: {  	_ =	shalt  }
0x50: {  	_ =	shalt  }
0x51: {  	_ =	shalt  }
0x52: {  	_ =	shalt  }
0x53: {  	_ =	shalt  }
0x54: {  	_ =	shalt  }
0x55: {  	_ =	shalt  }
0x56: {  	_ =	shalt  }
0x57: {  	_ =	shalt  }
0x58: {  	_ =	shalt  }
0x59: {  	_ =	shalt  }
0x5a: {  	_ =	shalt  }
0x5b: {  	_ =	shalt  }
0x5c: {  	_ =	shalt  }
0x5d: {  	_ =	shalt  }
0x5e: {  	_ =	shalt  }
0x5f: {  	_ =	shalt  }
0x60: {  	_ =	shalt  }
0x61: {  	_ =	shalt  }
0x62: {  	_ =	shalt  }
0x63: {  	_ =	shalt  }
0x64: {  	_ =	shalt  }
0x65: {  	_ =	shalt  }
0x66: {  	_ =	shalt  }
0x67: {  	_ =	shalt  }
0x68: {  	_ =	shalt  }
0x69: {  	_ =	shalt  }
0x6a: {  	_ =	shalt  }
0x6b: {  	_ =	shalt  }
0x6c: {  	_ =	shalt  }
0x6d: {  	_ =	shalt  }
0x6e: {  	_ =	shalt  }
0x6f: {  	_ =	shalt  }
0x70: {  	_ =	shalt  }
0x71: {  	_ =	shalt  }
0x72: {  	_ =	shalt  }
0x73: {  	_ =	shalt  }
0x74: {  	_ =	shalt  }
0x75: {  	_ =	shalt  }
0x76: {  	_ =	shalt  }
0x77: {  	_ =	shalt  }
0x78: {  	_ =	shalt  }
0x79: {  	_ =	shalt  }
0x7a: {  	_ =	shalt  }
0x7b: {  	_ =	shalt  }
0x7c: {  	_ =	shalt  }
0x7d: {  	_ =	shalt  }
0x7e: {  	_ =	shalt  }
0x7f: {  	_ =	shalt  }
0x80: {  	_ =	shalt  }
0x81: {  	_ =	shalt  }
0x82: {  	_ =	shalt  }
0x83: {  	_ =	shalt  }
0x84: {  	_ =	shalt  }
0x85: {  	_ =	shalt  }
0x86: {  	_ =	shalt  }
0x87: {  	_ =	shalt  }
.Lfunc_end0:
.L_simem_size_0:
called_computation_lowered:
.L_overlay_start_0:
0x88: {  	s0 =	sld [smem:$0x3FD9]  }
0x89: {  	s1 =	sld [smem:$0x3FFE];
	_ =	sdelay $0x3  }
0x8a: {  	s0 =	sadd.s32 s1, s0  }
0x8b: {  	[smem:$0x3FC4] =	sst s0  }
0x8c: {  	_ = 	snop  }
0x8d: {  	s0 =	sld [smem:$0x3FD0];
	(tm) =	ssettm $0x1  }
0x8e: {  	s16 =	sld [smem:$0x3FFB];
	_ =	sdelay $0x3  }
0x8f: {  	_ =	strace s16  }
0x90: {  	s1 =	sld [smem:$0x3FFC];
	_ =	sdelay $0x3  }
0x91: {  	_ =	strace s1  }
0x92: {  	s1 =	sld [smem:$0x3FFD];
	_ =	sdelay $0x3  }
0x93: {  	_ =	strace s1  }
0x94: {  	_ =	strace $0x8FFFFFFF  }
0x95: {  	s17 =	sld [smem:$0x3FDB];
	_ =	sdelay $0x1  }
0x96: {  	s2 =	simm.s32 $_scs_section_size  }
0x97: {  	s3 =	simm.s32 $_size__tile_overlayer_lowered;
	s4 =	simm.s32 $_tile_overlayer_lowered  }
0x98: {  	s20 =	simm.s32 $0x1BFF;
	s19 =	sshll.u32 s4, $0x1;
	s1 =	sadd.s32 s2, s17  }
0x99: {  	s5 =	simm.s32 $0x0;
	s18 =	sshll.u32 s3, $0x1;
	s3 =	sadd.s32 s19, s1  }
0x9a: {  	[timem:s5], [sflag:s20] =	dma.local [hbm:s3], s18  }
0x9b: {  	_ =	swait.ge [sflag:s20], s18  }
0x9c: {  	s2 =	ssub.s32 $0x0, s18;
	[sflag:s20] =	ssyncset.done $0x0  }
0x9d: {  	[sflag:s20] =	ssyncadd.s32 s2;
	_ =	sdelay $0x1  }
0x9e: {  	s21 =	simm.s32 $0x1B8B  }
0x9f: {  	_ =	swait.ge [sflag:s21], $0x1  }
0xa0: {  	[sflag:s21] =	ssyncset.done $0x0  }
0xa1: {  	s23 =	simm.s32 $0x1B8E;
	s22 =	sld [smem:$0x3FFE];
	[sflag:s21] =	ssyncadd.s32 $0xFFFFFFFF  }
0xa2: {  	s24 =	simm.s32 $execute0_lowered;
	[smem:$0x3FD2] =	sst s23  }
0xa3: {  	s3 =	sshll.u32 s24, $0x1;
	_ =	strace $0x80000046;
	[dreg:$0x1] =	wrdreg $0xFFFFFFFF  }
0xa4: {  	s25 =	simm.s32 $_size_execute0_lowered;
	s1 =	sadd.s32 s1, s3;
	[dreg:$0x0] =	wrdreg $0x0  }
0xa5: {  	s3 =	sshll.u32 s25, $0x1;
	[dreg:$0x2] =	wrdreg s1  }
0xa6: {  	[dreg:$0x3] =	wrdreg s3  }
0xa7: {  	[dreg:$0x4] =	wrdreg $0xC0  }
0xa8: {  	_ =	task [dreg:s5], $0x5FFFF  }
0xa9: {  	[dreg:$0x1] =	wrdreg $0xFFFFFFFF  }
0xaa: {  	[dreg:$0x0] =	wrdreg $0x60  }
0xab: {  	[dreg:$0x2] =	wrdreg s22  }
0xac: {  	[dreg:$0x3] =	wrdreg s0  }
0xad: {  	[dreg:$0x4] =	wrdreg $0x9  }
0xae: {  	_ =	task.clear_ibuf [dreg:s5], $0x5FFFF;
	_ =	strace $0x90000046  }
0xaf: {  	s26 =	simm.s32 $0x9;
	_ =	strace $0x80000048  }
0xb0: {  	_ =	swait.ge [sflag:s26], $0x1  }
0xb1: {  	[sflag:s26] =	ssyncadd.s32 $0xFFFFFFFF  }
0xb2: {  	_ =	strace $0x90000048  }
0xb3: {  	_ =	sfence  }
0xb4: {  	s28 =	sld [smem:$0x0];
	_ =	sdelay $0x1  }
0xb5: {  	s29 =	srdreg.scid  }
0xb6: {  	s30 =	sshll.u32 s29, $0xD;
	s31 =	sshrl.u32 s29, $0x2  }
0xb7: {  	s2 =	sand.u32 $0x4000, s30;
	s1 =	sand.u32 $0x1, s29;
	s0 =	sadd.s32 s31, s28  }
0xb8: {  	s1 =	sor.u32 s2, s1;
	s0 =	sshll.u32 s0, $0x11  }
0xb9: {  	s0 =	sor.u32 s0, s1  }
0xba: {  	s0 =	sadd.s32 $0x8F2B, s0  }
0xbb: {  	[sflag:s0] =	ssyncadd.remote.s32 $0x1  }
0xbc: {  	_ =	sfence.sel $0xFFFF  }
0xbd: {  	[dreg:$0x0] =	wrdreg $0xFFFFFFFF;
	(pc) =	sbr.abs _section_cstart, $3  }
0xbe: {  	[dreg:$0x1] =	wrdreg $0xFFFFFFFF  }
0xbf: {  	_ =	task.clear_ibuf [dreg:s5], $0x2FFFF;
	_ =	strace $0x9FFFFFFF  }
0xc0: {  	(tm) =	ssettm $0x7FFFFFFF  }
0xc1: {  	_ =	shalt  }
tec
execute0_lowered:
.L_overlay_start_1:
0x0: {  	(tag) =	ssettag $0x1  }
0x1: {  	s2 =	rddreg [dreg:$0x0];
	s1 =	stileid.u32  }
0x2: {  	s3 =	rddreg [dreg:$0x1];
	s4 =	simm.s32 $0x0;
	s5 =	sshll.u32 s1, $0x8  }
0x3: {  	[smem:$0x7FF] =	sst s4;
	s5 =	sadd.s32 s5, s2  }
0x4: {  	s0 =	rddreg [dreg:$0x2];
	_ =	strace $0x80000047;
	s5 =	sadd.s32 $0x800, s5  }
0x5: {  	[tilespmem:s4], [sflag:$0x1] =	stream.linear.gather [hbm4b:s5+s4], $0x800, $0x38;
	[tilespmem:$0x900] =	vst v63  }
0x6: {  	s29 =	simm.s32 $0x800;
	s30 =	simm.s32 $0x2  }
0x7: {  	[tilespmem:s29], [sflag:$0x2] =	stream.linear.gather [hbm4b:s3+s4], $0x80, $0x38;
	[tilespmem:$0x900] =	vst v63  }
0x8: {  	_ =	swait.ge [sflag:s30], $0x80  }
0x9: {  	[sflag:s30] =	ssyncset.done $0x0  }
0xa: {  	s31 =	simm.s32 $0x1;
	[sflag:s30] =	ssyncadd.s32 $0xFFFFFF80  }
0xb: {  	_ =	swait.ge [sflag:s31], $0x800  }
0xc: {  	[sflag:s31] =	ssyncset.done $0x0  }
0xd: {  	[sflag:s31] =	ssyncadd.s32 $0xFFFFF800  }
0xe: {  	v0 =	vld [tilespmem:$0x800]  }
0xf: {  	v4 =	vld [tilespmem:s4+$0x0];
	s4 =	sand.u32 $0x3F0, s4  }
0x10: {  	v5 =	vld [tilespmem:s4+$0x400]  }
0x11: {  	v1 =	vld [tilespmem:$0x810]  }
0x12: {  	v2 =	vld [tilespmem:$0x820];
	_ =	sdelay $0x1  }
0x13: {  	v3 =	vimm.f32 $0.0e+00;
	s2 =	sadd.s32 $0x1800, s2;
	s3 =	simm.s32 $0x10;
	s4 =	simm.s32 $0x10  }
.LBB2_1:
0x14: {  	s5 =	sand.u32 $0x3F0, s3;
	p0 =	sne.s32 s3, $0x3F0;
	s3 =	sadd.s32 $0x10, s3;
	v6 =	vsub.f32 v4, v5;
	v4 =	vld [tilespmem:s4+$0x0]  }
.Ltmp0:
0x15: {  	vm0 =	vgt.f32 v5, v0;
	v5 =	vld [tilespmem:s5+$0x400];
	(pc) =	sbr.rel @p0 .LBB2_1-.Ltmp0, $3  }
0x16: {  	v7 =	vsel vm0, v2, v1;
	v6 =	vand.u32 $0x7FFFFFFF, v6  }
0x17: {  	v6 =	vmul.f32 v7, v6;
	_ =	sdelay $0x1  }
0x18: {  	s4 =	sadd.s32 $0x10, s4;
	v3 =	vadd.f32 v6, v3  }
0x19: {  	v4 =	vsub.f32 v4, v5  }
0x1a: {  	vm0 =	vgt.f32 v5, v0  }
0x1b: {  	v0 =	vsel vm0, v2, v1;
	v63 =	vand.u32 $0x7FFFFFFF, v4  }
0x1c: {  	v0 =	vmul.f32 v0, v63;
	_ =	sdelay $0x1  }
0x1d: {  	v0 =	vadd.f32 v0, v3  }
0x1e: {  	s3 =	sshll.u32 s1, $0x4;
	s30 =	simm.s32 $0x0  }
0x1f: {  	s4 =	simm.s32 $0x880;
	s31 =	simm.s32 $0x3;
	s2 =	sadd.s32 s2, s3;
	[tilespmem:$0x880] =	vst v0  }
0x20: {  	[hbm4b:s2+s30] =	stream.linear.scatter [tilespmem:s4], [sflag:$0x3], $0x80, $0x38;
	[tilespmem:$0x900] =	vst v63  }
0x21: {  	_ =	swait.ge [sflag:s31], $0x80  }
0x22: {  	[sflag:s31] =	ssyncset.done $0x0  }
0x23: {  	[sflag:s31] =	ssyncadd.s32 $0xFFFFFF80  }
0x24: {  	_ =	sfence.sel $0x180000  }
0x25: {  	[bflag:$0x0] =	sbarrier.arrive $0xFFFF  }
0x26: {  	p0 =	sne.s32 s1, $0x0;
	_ =	strace $0x90000047  }
0x27: {  	s0 =	sadd.s32 @!p0 $0x100000, s0;
	[bflag:$0x2] =	sbarrier.arrive $0xFFFF  }
0x28: {  	[sflag:s0] =	ssyncadd.tile.s32 @!p0 $0x1;
	_ =	shalt  }
.Lfunc_end2:
_tile_overlayer_lowered:
.L_overlay_start_2:
0x29: {  	(tag) =	ssettag $0x2  }
0x2a: {  	s0 =	rddreg [dreg:$0x0];
	s2 =	stileid.u32  }
0x2b: {  	s1 =	rddreg [dreg:$0x1];
	p0 =	sne.s32 s2, $0x0  }
0x2c: {  	s3 =	rddreg [dreg:$0x2];
	[bflag:$0x3] =	sbarrier.arrive $0xFFFF;
	s2 =	simm.s32 @!p0 $0x1C03  }
0x2d: {  	[timem:s3], [sflag:s2] =	dma.local @!p0 [hbm:s0], s1  }
0x2e: {  	s0 =	simm.s32 @!p0 $0x3  }
0x2f: {  	_ =	swait.ge @!p0 [sflag:s0], s1  }
0x30: {  	s1 =	ssub.s32 @!p0 $0x0, s1;
	[sflag:s0] =	ssyncset.done @!p0 $0x0  }
0x31: {  	[sflag:s0] =	ssyncadd.s32 @!p0 s1  }
0x32: {  	[bflag:$0x3] =	sbarrier.arrive $0xFFFF  }
0x33: {  	_ =	shalt  }

</sc_bundles>
